<compile_context>
chip_gen: v7x
topology: tpu7x:2x2x1
jax: 0.10.2.dev20260603
libtpu: 0.0.44.dev20260713+nightly
codegen_flags: <defaults>
</compile_context>

<pallas_src>
import functools

import jax
import jax.numpy as jnp
from jax import lax
from jax.experimental import pallas as pl
from jax.experimental.pallas import tpu as pltpu, tpu_sc as plsc

_BS, _L, _DIM = 4, 256, 128
_G = 2
_VAR = _DIM // _G
_C = 512
_EPS = 1e-5
_N = _BS * _L
_HI = jax.lax.Precision.HIGHEST
_NIDX = 4 * _N


def _vq_tc_kernel(x_ref, w0_ref, w1_ref, et_ref, gnw_ref, gnb_ref,
                  z_ref, idx_ref, gap_ref):
    xx = x_ref[...]
    et = et_ref[...]
    gnw = gnw_ref[...]
    gnb = gnb_ref[...]

    en = jnp.sum(et * et, axis=0, keepdims=True)
    lane_c = jax.lax.broadcasted_iota(jnp.int32, (_N, _C), 1)
    inv_cnt = 1.0 / float(_L * _VAR)
    big = jnp.float32(3.4e38)

    for g, w_ref in ((0, w0_ref), (1, w1_ref)):
        cols = slice(g * _VAR, (g + 1) * _VAR)
        xg = xx[:, cols]
        wt = w_ref[...]
        y = jnp.dot(xg, wt, preferred_element_type=jnp.float32)

        y3 = y.reshape(_BS, _L, _VAR)
        bmean = jnp.sum(y3, axis=(1, 2), keepdims=True) * inv_cnt
        dcen3 = y3 - bmean
        bvar = jnp.sum(dcen3 * dcen3, axis=(1, 2), keepdims=True) * inv_cnt
        z3 = dcen3 / jnp.sqrt(bvar + _EPS)
        z = z3.reshape(_N, _VAR)
        z = z * gnw[:, cols] + gnb[:, cols]

        s = en - 2.0 * jnp.dot(z, et, preferred_element_type=jnp.float32,
                               precision=_HI)

        m1 = jnp.min(s, axis=1, keepdims=True)
        i1 = jnp.min(jnp.where(s == m1, lane_c, _C), axis=1, keepdims=True)
        smask = jnp.where(lane_c == i1, big, s)
        m2 = jnp.min(smask, axis=1, keepdims=True)
        i2 = jnp.min(jnp.where(smask == m2, lane_c, _C), axis=1, keepdims=True)

        swap = i2 < i1
        ilo = jnp.where(swap, i2, i1)
        ihi = jnp.where(swap, i1, i2)
        z_ref[:, cols] = z
        idx_ref[:, 2 * g:2 * g + 1] = ilo
        idx_ref[:, 2 * g + 1:2 * g + 2] = ihi
        gap_ref[:, g:g + 1] = m2 - m1


_info = plsc.get_sparse_core_info()
_NW = _info.num_cores * _info.num_subcores
_BPW = _NIDX // _NW


def _make_sc_gather():
    mesh = plsc.VectorSubcoreMesh(core_axis_name="c", subcore_axis_name="s")

    @functools.partial(
        pl.kernel, mesh=mesh,
        out_type=jax.ShapeDtypeStruct((_NIDX, 2 * _VAR), jnp.float32),
        scratch_types=[
            pltpu.VMEM((_BPW,), jnp.int32),
            pltpu.VMEM((_BPW, 2 * _VAR), jnp.float32),
            pltpu.SemaphoreType.DMA,
        ],
    )
    def k(table_hbm, idx_hbm, out_hbm, idx_v, rows_v, sem):
        wid = lax.axis_index("s") * _info.num_cores + lax.axis_index("c")
        base = wid * _BPW
        pltpu.sync_copy(idx_hbm.at[pl.ds(base, _BPW)], idx_v)
        pltpu.async_copy(table_hbm.at[idx_v], rows_v, sem).wait()
        pltpu.sync_copy(rows_v, out_hbm.at[pl.ds(base, _BPW)])

    return k


def kernel(x, conv_w, gn_w, gn_b, emb):
    bs, l, d = x.shape
    x2 = x.reshape(bs * l, d)
    w = conv_w[:, :, 0]
    w0t = w[:_VAR, :].T
    w1t = w[_VAR:, :].T
    e = emb[:, 0, :]
    et = e.T
    gnw2 = gn_w.reshape(1, d)
    gnb2 = gn_b.reshape(1, d)

    z2, idx, gap = pl.pallas_call(
        _vq_tc_kernel,
        out_shape=(jax.ShapeDtypeStruct((bs * l, d), jnp.float32),
                   jax.ShapeDtypeStruct((bs * l, 4), jnp.int32),
                   jax.ShapeDtypeStruct((bs * l, _G), jnp.float32)),
    )(x2, w0t, w1t, et, gnw2, gnb2)

    idx_flat = idx.T.reshape(_NIDX)
    e_pad = jnp.concatenate([e, jnp.zeros_like(e)], axis=1)
    rows = _make_sc_gather()(e_pad, idx_flat)[:, :_VAR]

    ze4 = z2.reshape(bs, l, _G, _VAR)
    lo = jnp.stack([rows[0:_N], rows[2 * _N:3 * _N]], axis=1)
    hi = jnp.stack([rows[_N:2 * _N], rows[3 * _N:4 * _N]], axis=1)
    lo4 = lo.reshape(bs, l, _G, _VAR)
    hi4 = hi.reshape(bs, l, _G, _VAR)
    cand = jnp.stack([lo4, hi4])
    dcand = jnp.linalg.norm(ze4[None] - cand, axis=-1)
    pick_lo = (dcand[0] <= dcand[1])[..., None]
    zq = jnp.where(pick_lo, cand[0], cand[1])

    zf = z2.reshape(_N * _G, _VAR)
    zq_flat = zq.reshape(_N * _G, _VAR)
    flat_gap = gap.reshape(_N * _G)
    ridx = jnp.sort(jax.lax.top_k(-flat_gap, 256)[1])
    zr = jax.lax.optimization_barrier(zf[ridx])
    eb = jax.lax.optimization_barrier(e)
    ndist = jnp.linalg.norm(zr[None] - eb[:, None], axis=-1)
    am = jnp.argmin(ndist, axis=0)
    zq_flat = zq_flat.at[ridx].set(e[am])
    return zq_flat.reshape(bs, l, d)

# --- scband reference (transcript-rebuilt; emitter-appended) ---
"""Pipeline reference for scband-kmeans-quantizer-65884798320944 (READ-ONLY COPY).

The authoritative reference and input builder live on the scoring server;
editing this copy changes nothing except your own understanding.
"""

import jax, jax.numpy as jnp
import numpy as np

BS, L, DIM = 4, 256, 128
G = 2
VAR = DIM // G  # 64
C = 512
EPS = 1e-5


def setup_inputs(seed: int = 0) -> dict:
    key = jax.random.key(seed)
    k1, k2, k3 = jax.random.split(key, 3)
    x = jax.random.normal(k1, (BS, L, DIM), dtype=jnp.float32)
    # Conv1d(dim, dim, kernel_size=1, groups=G, bias=False): weight [DIM, DIM//G, 1]
    conv_w = jax.random.normal(k2, (DIM, DIM // G, 1), dtype=jnp.float32) * (1.0 / np.sqrt(DIM // G))
    # Fp32GroupNorm(G, DIM) affine params
    gn_w = jnp.ones((DIM,), dtype=jnp.float32)
    gn_b = jnp.zeros((DIM,), dtype=jnp.float32)
    # embeddings: [C, 1, VAR] (combineGroups=True)
    emb = 0.01 * jax.random.normal(k3, (C, 1, VAR), dtype=jnp.float32)
    return {"x": x, "conv_w": conv_w, "gn_w": gn_w, "gn_b": gn_b, "emb": emb}


def reference(x, conv_w, gn_w, gn_b, emb):
    bs, l, d = x.shape
    xt = jnp.transpose(x, (0, 2, 1))  # [bs, DIM, l]
    # grouped pointwise conv1d
    xg = xt.reshape(bs, G, DIM // G, l)
    w = conv_w[:, :, 0].reshape(G, DIM // G, DIM // G)  # [G, out_per_g, in_per_g]
    y = jnp.einsum('goi,bgil->bgol', w, xg)  # [bs, G, out_per_g, l]
    # group norm (fp32, biased variance) over (channels-in-group, length)
    mean = y.mean(axis=(2, 3), keepdims=True)
    var = y.var(axis=(2, 3), keepdims=True)
    yn = (y - mean) / jnp.sqrt(var + EPS)
    ze = yn.reshape(bs, DIM, l) * gn_w[None, :, None] + gn_b[None, :, None]  # [bs, DIM, l]
    # [bs, l, G, VAR]
    ze_ = jnp.transpose(ze.reshape(bs, G, VAR, l), (0, 3, 1, 2))
    embE = jnp.broadcast_to(emb, (C, G, VAR))  # expandEmbedding
    diff = ze_[None, :, :, :, :] - embE[:, None, None, :, :]  # [C, bs, l, G, VAR]
    dmat = jnp.linalg.norm(diff, axis=-1)  # [C, bs, l, G]
    idx = jnp.argmin(dmat, axis=0)  # [bs, l, G]
    zq = jnp.stack([embE[idx[..., g], g] for g in range(G)], axis=-2)  # [bs, l, G, VAR]
    zq = zq.reshape(bs, l, G * VAR)
    zq = jnp.transpose(zq, (0, 2, 1))  # [bs, DIM, l]
    out = jax.lax.stop_gradient(zq) + ze - jax.lax.stop_gradient(ze)
    out = jnp.transpose(out, (0, 2, 1))  # [bs, l, DIM]
    return out

if __name__ == "__main__":
    import jax
    _d = setup_inputs()
    print(jax.jit(kernel)(*tuple(_d.values())))

</pallas_src>

<mosaic_0001>
#map = affine_map<(d0, d1) -> (0, 0)>
#map1 = affine_map<(d0, d1) -> (0)>
module attributes {stable_mosaic.version = 14 : i64} {
  func.func @k(%arg0: i32, %arg1: i32, %arg2: memref<512x128xf32, #tpu.memory_space<hbm>>, %arg3: memref<4096xi32, #tpu.memory_space<hbm>>, %arg4: memref<4096x128xf32, #tpu.memory_space<hbm>>, %arg5: memref<128xi32, #tpu.memory_space<vmem>>, %arg6: memref<128x128xf32, #tpu.memory_space<vmem>>, %arg7: memref<!tpu.dma_semaphore, #tpu.memory_space<semaphore_mem>>) attributes {dimension_semantics = [#tpu.dimension_semantics<core_parallel>, #tpu.dimension_semantics<subcore_parallel>], iteration_bounds = array<i64: 2, 16>, scalar_prefetch = 0 : i64, scratch_operands = 3 : i64, tpu.core_type = #tpu.core_type<sc_vector_subcore>, window_params = [{transform_indices = #map}, {transform_indices = #map1}, {transform_indices = #map}]} {
    %mul3A = arith.constant 2 : i32
    %mul3A_0 = arith.muli %arg1, %mul3A : i32
    %add3A = arith.addi %mul3A_0, %arg0 : i32
    %mul3A_1 = arith.constant 128 : i32
    %mul3A_2 = arith.muli %add3A, %mul3A_1 : i32
    "tpu.region"() ({
      %run_scoped3A = tpu.sem_alloc : memref<!tpu.dma_semaphore, #tpu.memory_space<semaphore_mem>>
      %dma_start3A_7 = tpu.memref_slice %arg3[%mul3A_2] : memref<4096xi32, #tpu.memory_space<hbm>> -> memref<128xi32, #tpu.memory_space<hbm>>
      %dma_start3A_8 = tpu.memref_slice %arg3[%mul3A_2] : memref<4096xi32, #tpu.memory_space<hbm>> -> memref<128xi32, #tpu.memory_space<hbm>>
      tpu.enqueue_dma source(%dma_start3A_8 : memref<128xi32, #tpu.memory_space<hbm>>) target(%arg5 : memref<128xi32, #tpu.memory_space<vmem>>) target_semaphore(%run_scoped3A : memref<!tpu.dma_semaphore, #tpu.memory_space<semaphore_mem>>)
      %dma_wait3A_9 = tpu.memref_slice %arg3[%mul3A_2] : memref<4096xi32, #tpu.memory_space<hbm>> -> memref<128xi32, #tpu.memory_space<hbm>>
      %dma_wait3A_10 = tpu.memref_slice %arg3[%mul3A_2] : memref<4096xi32, #tpu.memory_space<hbm>> -> memref<128xi32, #tpu.memory_space<hbm>>
      tpu.wait_dma2 semaphore(%run_scoped3A : memref<!tpu.dma_semaphore, #tpu.memory_space<semaphore_mem>>) src(%dma_wait3A_10 : memref<128xi32, #tpu.memory_space<hbm>>) dst(%arg5 : memref<128xi32, #tpu.memory_space<vmem>>)
      tpu.yield
    }) : () -> ()
    %dma_start3A = arith.constant 0 : i32
    %dma_start3A_3 = arith.constant 0 : i32
    %dma_start3A_4 = tpu.memref_slice %arg2[%dma_start3A, %dma_start3A_3] : memref<512x128xf32, #tpu.memory_space<hbm>> -> memref<512x128xf32, #tpu.memory_space<hbm>>
    tpu.enqueue_indirect_dma source(%dma_start3A_4 : memref<512x128xf32, #tpu.memory_space<hbm>>) target(%arg6 : memref<128x128xf32, #tpu.memory_space<vmem>>) offsets(%arg5 : memref<128xi32, #tpu.memory_space<vmem>>) semaphore(%arg7 : memref<!tpu.dma_semaphore, #tpu.memory_space<semaphore_mem>>)
    %dma_wait3A = arith.constant 0 : i32
    %dma_wait3A_5 = arith.constant 0 : i32
    %dma_wait3A_6 = tpu.memref_slice %arg2[%dma_wait3A, %dma_wait3A_5] : memref<512x128xf32, #tpu.memory_space<hbm>> -> memref<512x128xf32, #tpu.memory_space<hbm>>
    tpu.wait_indirect_dma semaphore(%arg7 : memref<!tpu.dma_semaphore, #tpu.memory_space<semaphore_mem>>) src(%dma_wait3A_6 : memref<512x128xf32, #tpu.memory_space<hbm>>) dst(%arg6 : memref<128x128xf32, #tpu.memory_space<vmem>>)
    "tpu.region"() ({
      %run_scoped3A = tpu.sem_alloc : memref<!tpu.dma_semaphore, #tpu.memory_space<semaphore_mem>>
      %dma_start3A_7 = arith.constant 0 : i32
      %dma_start3A_8 = tpu.memref_slice %arg4[%mul3A_2, %dma_start3A_7] : memref<4096x128xf32, #tpu.memory_space<hbm>> -> memref<128x128xf32, #tpu.memory_space<hbm>>
      %dma_start3A_9 = arith.constant 0 : i32
      %dma_start3A_10 = tpu.memref_slice %arg4[%mul3A_2, %dma_start3A_9] : memref<4096x128xf32, #tpu.memory_space<hbm>> -> memref<128x128xf32, #tpu.memory_space<hbm>>
      tpu.enqueue_dma source(%arg6 : memref<128x128xf32, #tpu.memory_space<vmem>>) target(%dma_start3A_10 : memref<128x128xf32, #tpu.memory_space<hbm>>) target_semaphore(%run_scoped3A : memref<!tpu.dma_semaphore, #tpu.memory_space<semaphore_mem>>)
      %dma_wait3A_11 = arith.constant 0 : i32
      %dma_wait3A_12 = tpu.memref_slice %arg4[%mul3A_2, %dma_wait3A_11] : memref<4096x128xf32, #tpu.memory_space<hbm>> -> memref<128x128xf32, #tpu.memory_space<hbm>>
      %dma_wait3A_13 = arith.constant 0 : i32
      %dma_wait3A_14 = tpu.memref_slice %arg4[%mul3A_2, %dma_wait3A_13] : memref<4096x128xf32, #tpu.memory_space<hbm>> -> memref<128x128xf32, #tpu.memory_space<hbm>>
      tpu.wait_dma2 semaphore(%run_scoped3A : memref<!tpu.dma_semaphore, #tpu.memory_space<semaphore_mem>>) src(%arg6 : memref<128x128xf32, #tpu.memory_space<vmem>>) dst(%dma_wait3A_14 : memref<128x128xf32, #tpu.memory_space<hbm>>)
      tpu.yield
    }) : () -> ()
    return
  }
}

module attributes {stable_mosaic.version = 14 : i64} {
  func.func @_vq_tc_kernel(%arg0: memref<1024x128xf32, #tpu.memory_space<vmem>>, %arg1: memref<64x64xf32, #tpu.memory_space<vmem>>, %arg2: memref<64x64xf32, #tpu.memory_space<vmem>>, %arg3: memref<64x512xf32, #tpu.memory_space<vmem>>, %arg4: memref<1x128xf32, #tpu.memory_space<vmem>>, %arg5: memref<1x128xf32, #tpu.memory_space<vmem>>, %arg6: memref<1024x128xf32, #tpu.memory_space<vmem>>, %arg7: memref<1024x4xi32, #tpu.memory_space<vmem>>, %arg8: memref<1024x2xf32, #tpu.memory_space<vmem>>) attributes {dimension_semantics = [], scalar_prefetch = 0 : i64, scratch_operands = 0 : i64, tpu.core_type = #tpu.core_type<tc>} {
    %get3A = arith.constant 0 : index
    %get3A_0 = arith.constant 0 : index
    %get3A_1 = vector.load %arg0[%get3A, %get3A_0] : memref<1024x128xf32, #tpu.memory_space<vmem>>, vector<1024x128xf32>
    %get3A_2 = arith.constant 0 : index
    %get3A_3 = arith.constant 0 : index
    %get3A_4 = vector.load %arg3[%get3A_2, %get3A_3] : memref<64x512xf32, #tpu.memory_space<vmem>>, vector<64x512xf32>
    %get3A_5 = arith.constant 0 : index
    %get3A_6 = arith.constant 0 : index
    %get3A_7 = vector.load %arg4[%get3A_5, %get3A_6] : memref<1x128xf32, #tpu.memory_space<vmem>>, vector<1x128xf32>
    %get3A_8 = arith.constant 0 : index
    %get3A_9 = arith.constant 0 : index
    %get3A_10 = vector.load %arg5[%get3A_8, %get3A_9] : memref<1x128xf32, #tpu.memory_space<vmem>>, vector<1x128xf32>
    %mul3A = arith.mulf %get3A_4, %get3A_4 : vector<64x512xf32>
    %reduce_sum3A = arith.constant dense<0.000000e+00> : vector<512xf32>
    %reduce_sum3A_11 = vector.multi_reduction <add>, %mul3A, %reduce_sum3A [0] : vector<64x512xf32> to vector<512xf32>
    %broadcast_in_dim3A = vector.shape_cast %reduce_sum3A_11 : vector<512xf32> to vector<1x512xf32>
    %iota3A = tpu.iota {dimensions = array<i32: 1>} : vector<1024x512xi32>
    %slice3A = vector.extract_strided_slice %get3A_1 {offsets = [0, 0], sizes = [1024, 64], strides = [1, 1]} : vector<1024x128xf32> to vector<1024x64xf32>
    %get3A_12 = arith.constant 0 : index
    %get3A_13 = arith.constant 0 : index
    %get3A_14 = vector.load %arg1[%get3A_12, %get3A_13] : memref<64x64xf32, #tpu.memory_space<vmem>>, vector<64x64xf32>
    %dot_general3A = arith.constant dense<0.000000e+00> : vector<1024x64xf32>
    %dot_general3A_15 = tpu.matmul %slice3A, %get3A_14, %dot_general3A {dimension_numbers = #tpu.dot_dimension_numbers<[1], [0], [0], [1], [0, 0, 1, 1], [], []>, transpose_lhs_hint = false} : vector<1024x64xf32>, vector<64x64xf32>, vector<1024x64xf32> -> vector<1024x64xf32>
    %reshape3A = vector.shape_cast %dot_general3A_15 : vector<1024x64xf32> to vector<4x256x64xf32>
    %reduce_sum3A_16 = arith.constant dense<0.000000e+00> : vector<4xf32>
    %reduce_sum3A_17 = vector.multi_reduction <add>, %reshape3A, %reduce_sum3A_16 [1, 2] : vector<4x256x64xf32> to vector<4xf32>
    %broadcast_in_dim3A_18 = vector.shape_cast %reduce_sum3A_17 : vector<4xf32> to vector<4x1x1xf32>
    %mul3A_19 = arith.constant 6.10351563E-5 : f32
    %mul3A_20 = vector.broadcast %mul3A_19 : f32 to vector<4x1x1xf32>
    %mul3A_21 = arith.mulf %broadcast_in_dim3A_18, %mul3A_20 : vector<4x1x1xf32>
    %sub3A = vector.broadcast %mul3A_21 : vector<4x1x1xf32> to vector<4x256x64xf32>
    %sub3A_22 = arith.subf %reshape3A, %sub3A : vector<4x256x64xf32>
    %mul3A_23 = arith.mulf %sub3A_22, %sub3A_22 : vector<4x256x64xf32>
    %reduce_sum3A_24 = arith.constant dense<0.000000e+00> : vector<4xf32>
    %reduce_sum3A_25 = vector.multi_reduction <add>, %mul3A_23, %reduce_sum3A_24 [1, 2] : vector<4x256x64xf32> to vector<4xf32>
    %broadcast_in_dim3A_26 = vector.shape_cast %reduce_sum3A_25 : vector<4xf32> to vector<4x1x1xf32>
    %mul3A_27 = arith.constant 6.10351563E-5 : f32
    %mul3A_28 = vector.broadcast %mul3A_27 : f32 to vector<4x1x1xf32>
    %mul3A_29 = arith.mulf %broadcast_in_dim3A_26, %mul3A_28 : vector<4x1x1xf32>
    %add3A = arith.constant 9.99999974E-6 : f32
    %add3A_30 = vector.broadcast %add3A : f32 to vector<4x1x1xf32>
    %add3A_31 = arith.addf %mul3A_29, %add3A_30 : vector<4x1x1xf32>
    %sqrt3A = math.sqrt %add3A_31 : vector<4x1x1xf32>
    %div3A = vector.broadcast %sqrt3A : vector<4x1x1xf32> to vector<4x256x64xf32>
    %div3A_32 = arith.divf %sub3A_22, %div3A : vector<4x256x64xf32>
    %reshape3A_33 = vector.shape_cast %div3A_32 : vector<4x256x64xf32> to vector<1024x64xf32>
    %slice3A_34 = vector.extract_strided_slice %get3A_7 {offsets = [0, 0], sizes = [1, 64], strides = [1, 1]} : vector<1x128xf32> to vector<1x64xf32>
    %mul3A_35 = vector.broadcast %slice3A_34 : vector<1x64xf32> to vector<1024x64xf32>
    %mul3A_36 = arith.mulf %reshape3A_33, %mul3A_35 : vector<1024x64xf32>
    %slice3A_37 = vector.extract_strided_slice %get3A_10 {offsets = [0, 0], sizes = [1, 64], strides = [1, 1]} : vector<1x128xf32> to vector<1x64xf32>
    %add3A_38 = vector.broadcast %slice3A_37 : vector<1x64xf32> to vector<1024x64xf32>
    %add3A_39 = arith.addf %mul3A_36, %add3A_38 : vector<1024x64xf32>
    %dot_general3A_40 = arith.constant dense<0.000000e+00> : vector<1024x512xf32>
    %dot_general3A_41 = tpu.matmul %add3A_39, %get3A_4, %dot_general3A_40 {dimension_numbers = #tpu.dot_dimension_numbers<[1], [0], [0], [1], [0, 0, 1, 1], [], []>, precision = #tpu.contract_precision<fp32>, transpose_lhs_hint = false} : vector<1024x64xf32>, vector<64x512xf32>, vector<1024x512xf32> -> vector<1024x512xf32>
    %mul3A_42 = arith.constant 2.000000e+00 : f32
    %mul3A_43 = vector.broadcast %mul3A_42 : f32 to vector<1024x512xf32>
    %mul3A_44 = arith.mulf %mul3A_43, %dot_general3A_41 : vector<1024x512xf32>
    %sub3A_45 = vector.broadcast %broadcast_in_dim3A : vector<1x512xf32> to vector<1024x512xf32>
    %sub3A_46 = arith.subf %sub3A_45, %mul3A_44 : vector<1024x512xf32>
    %reduce_min3A = arith.constant dense<0x7F800000> : vector<1024xf32>
    %reduce_min3A_47 = vector.multi_reduction <minimumf>, %sub3A_46, %reduce_min3A [1] : vector<1024x512xf32> to vector<1024xf32>
    %broadcast_in_dim3A_48 = vector.shape_cast %reduce_min3A_47 : vector<1024xf32> to vector<1024x1xf32>
    %eq3A = vector.broadcast %broadcast_in_dim3A_48 : vector<1024x1xf32> to vector<1024x512xf32>
    %eq3A_49 = arith.cmpf oeq, %sub3A_46, %eq3A : vector<1024x512xf32>
    %jit3A = arith.constant 512 : i32
    %broadcast_in_dim3A_50 = vector.broadcast %jit3A : i32 to vector<1024x512xi32>
    %select_n3A = arith.select %eq3A_49, %iota3A, %broadcast_in_dim3A_50 : vector<1024x512xi1>, vector<1024x512xi32>
    %reduce_min3A_51 = arith.constant dense<2147483647> : vector<1024xi32>
    %reduce_min3A_52 = vector.multi_reduction <minsi>, %select_n3A, %reduce_min3A_51 [1] : vector<1024x512xi32> to vector<1024xi32>
    %broadcast_in_dim3A_53 = vector.shape_cast %reduce_min3A_52 : vector<1024xi32> to vector<1024x1xi32>
    %eq3A_54 = vector.broadcast %broadcast_in_dim3A_53 : vector<1024x1xi32> to vector<1024x512xi32>
    %eq3A_55 = arith.cmpi eq, %iota3A, %eq3A_54 : vector<1024x512xi32>
    %jit3A_56 = arith.constant 3.400000e+38 : f32
    %broadcast_in_dim3A_57 = vector.broadcast %jit3A_56 : f32 to vector<1024x512xf32>
    %select_n3A_58 = arith.select %eq3A_55, %broadcast_in_dim3A_57, %sub3A_46 : vector<1024x512xi1>, vector<1024x512xf32>
    %reduce_min3A_59 = arith.constant dense<0x7F800000> : vector<1024xf32>
    %reduce_min3A_60 = vector.multi_reduction <minimumf>, %select_n3A_58, %reduce_min3A_59 [1] : vector<1024x512xf32> to vector<1024xf32>
    %broadcast_in_dim3A_61 = vector.shape_cast %reduce_min3A_60 : vector<1024xf32> to vector<1024x1xf32>
    %eq3A_62 = vector.broadcast %broadcast_in_dim3A_61 : vector<1024x1xf32> to vector<1024x512xf32>
    %eq3A_63 = arith.cmpf oeq, %select_n3A_58, %eq3A_62 : vector<1024x512xf32>
    %jit3A_64 = arith.constant 512 : i32
    %broadcast_in_dim3A_65 = vector.broadcast %jit3A_64 : i32 to vector<1024x512xi32>
    %select_n3A_66 = arith.select %eq3A_63, %iota3A, %broadcast_in_dim3A_65 : vector<1024x512xi1>, vector<1024x512xi32>
    %reduce_min3A_67 = arith.constant dense<2147483647> : vector<1024xi32>
    %reduce_min3A_68 = vector.multi_reduction <minsi>, %select_n3A_66, %reduce_min3A_67 [1] : vector<1024x512xi32> to vector<1024xi32>
    %broadcast_in_dim3A_69 = vector.shape_cast %reduce_min3A_68 : vector<1024xi32> to vector<1024x1xi32>
    %lt3A = arith.cmpi slt, %broadcast_in_dim3A_69, %broadcast_in_dim3A_53 : vector<1024x1xi32>
    %select_n3A_70 = arith.select %lt3A, %broadcast_in_dim3A_69, %broadcast_in_dim3A_53 : vector<1024x1xi1>, vector<1024x1xi32>
    %select_n3A_71 = arith.select %lt3A, %broadcast_in_dim3A_53, %broadcast_in_dim3A_69 : vector<1024x1xi1>, vector<1024x1xi32>
    %swap3A = arith.constant 0 : index
    %swap3A_72 = arith.constant 0 : index
    %swap3A_73 = vector.load %arg6[%swap3A, %swap3A_72] : memref<1024x128xf32, #tpu.memory_space<vmem>>, vector<1024x64xf32>
    tpu.vector_store %arg6[%swap3A, %swap3A_72], %add3A_39 {strides = array<i32>} : memref<1024x128xf32, #tpu.memory_space<vmem>>, vector<1024x64xf32>,
    %swap3A_74 = arith.constant 0 : index
    %swap3A_75 = arith.constant 0 : index
    %swap3A_76 = vector.load %arg7[%swap3A_74, %swap3A_75] : memref<1024x4xi32, #tpu.memory_space<vmem>>, vector<1024x1xi32>
    tpu.vector_store %arg7[%swap3A_74, %swap3A_75], %select_n3A_70 {strides = array<i32>} : memref<1024x4xi32, #tpu.memory_space<vmem>>, vector<1024x1xi32>,
    %swap3A_77 = arith.constant 0 : index
    %swap3A_78 = arith.constant 1 : index
    %swap3A_79 = vector.load %arg7[%swap3A_77, %swap3A_78] : memref<1024x4xi32, #tpu.memory_space<vmem>>, vector<1024x1xi32>
    tpu.vector_store %arg7[%swap3A_77, %swap3A_78], %select_n3A_71 {strides = array<i32>} : memref<1024x4xi32, #tpu.memory_space<vmem>>, vector<1024x1xi32>,
    %sub3A_80 = arith.subf %broadcast_in_dim3A_61, %broadcast_in_dim3A_48 : vector<1024x1xf32>
    %swap3A_81 = arith.constant 0 : index
    %swap3A_82 = arith.constant 0 : index
    %swap3A_83 = vector.load %arg8[%swap3A_81, %swap3A_82] : memref<1024x2xf32, #tpu.memory_space<vmem>>, vector<1024x1xf32>
    tpu.vector_store %arg8[%swap3A_81, %swap3A_82], %sub3A_80 {strides = array<i32>} : memref<1024x2xf32, #tpu.memory_space<vmem>>, vector<1024x1xf32>,
    %slice3A_84 = vector.extract_strided_slice %get3A_1 {offsets = [0, 64], sizes = [1024, 64], strides = [1, 1]} : vector<1024x128xf32> to vector<1024x64xf32>
    %get3A_85 = arith.constant 0 : index
    %get3A_86 = arith.constant 0 : index
    %get3A_87 = vector.load %arg2[%get3A_85, %get3A_86] : memref<64x64xf32, #tpu.memory_space<vmem>>, vector<64x64xf32>
    %dot_general3A_88 = arith.constant dense<0.000000e+00> : vector<1024x64xf32>
    %dot_general3A_89 = tpu.matmul %slice3A_84, %get3A_87, %dot_general3A_88 {dimension_numbers = #tpu.dot_dimension_numbers<[1], [0], [0], [1], [0, 0, 1, 1], [], []>, transpose_lhs_hint = false} : vector<1024x64xf32>, vector<64x64xf32>, vector<1024x64xf32> -> vector<1024x64xf32>
    %reshape3A_90 = vector.shape_cast %dot_general3A_89 : vector<1024x64xf32> to vector<4x256x64xf32>
    %reduce_sum3A_91 = arith.constant dense<0.000000e+00> : vector<4xf32>
    %reduce_sum3A_92 = vector.multi_reduction <add>, %reshape3A_90, %reduce_sum3A_91 [1, 2] : vector<4x256x64xf32> to vector<4xf32>
    %broadcast_in_dim3A_93 = vector.shape_cast %reduce_sum3A_92 : vector<4xf32> to vector<4x1x1xf32>
    %mul3A_94 = arith.constant 6.10351563E-5 : f32
    %mul3A_95 = vector.broadcast %mul3A_94 : f32 to vector<4x1x1xf32>
    %mul3A_96 = arith.mulf %broadcast_in_dim3A_93, %mul3A_95 : vector<4x1x1xf32>
    %sub3A_97 = vector.broadcast %mul3A_96 : vector<4x1x1xf32> to vector<4x256x64xf32>
    %sub3A_98 = arith.subf %reshape3A_90, %sub3A_97 : vector<4x256x64xf32>
    %mul3A_99 = arith.mulf %sub3A_98, %sub3A_98 : vector<4x256x64xf32>
    %reduce_sum3A_100 = arith.constant dense<0.000000e+00> : vector<4xf32>
    %reduce_sum3A_101 = vector.multi_reduction <add>, %mul3A_99, %reduce_sum3A_100 [1, 2] : vector<4x256x64xf32> to vector<4xf32>
    %broadcast_in_dim3A_102 = vector.shape_cast %reduce_sum3A_101 : vector<4xf32> to vector<4x1x1xf32>
    %mul3A_103 = arith.constant 6.10351563E-5 : f32
    %mul3A_104 = vector.broadcast %mul3A_103 : f32 to vector<4x1x1xf32>
    %mul3A_105 = arith.mulf %broadcast_in_dim3A_102, %mul3A_104 : vector<4x1x1xf32>
    %add3A_106 = arith.constant 9.99999974E-6 : f32
    %add3A_107 = vector.broadcast %add3A_106 : f32 to vector<4x1x1xf32>
    %add3A_108 = arith.addf %mul3A_105, %add3A_107 : vector<4x1x1xf32>
    %sqrt3A_109 = math.sqrt %add3A_108 : vector<4x1x1xf32>
    %div3A_110 = vector.broadcast %sqrt3A_109 : vector<4x1x1xf32> to vector<4x256x64xf32>
    %div3A_111 = arith.divf %sub3A_98, %div3A_110 : vector<4x256x64xf32>
    %reshape3A_112 = vector.shape_cast %div3A_111 : vector<4x256x64xf32> to vector<1024x64xf32>
    %slice3A_113 = vector.extract_strided_slice %get3A_7 {offsets = [0, 64], sizes = [1, 64], strides = [1, 1]} : vector<1x128xf32> to vector<1x64xf32>
    %mul3A_114 = vector.broadcast %slice3A_113 : vector<1x64xf32> to vector<1024x64xf32>
    %mul3A_115 = arith.mulf %reshape3A_112, %mul3A_114 : vector<1024x64xf32>
    %slice3A_116 = vector.extract_strided_slice %get3A_10 {offsets = [0, 64], sizes = [1, 64], strides = [1, 1]} : vector<1x128xf32> to vector<1x64xf32>
    %add3A_117 = vector.broadcast %slice3A_116 : vector<1x64xf32> to vector<1024x64xf32>
    %add3A_118 = arith.addf %mul3A_115, %add3A_117 : vector<1024x64xf32>
    %dot_general3A_119 = arith.constant dense<0.000000e+00> : vector<1024x512xf32>
    %dot_general3A_120 = tpu.matmul %add3A_118, %get3A_4, %dot_general3A_119 {dimension_numbers = #tpu.dot_dimension_numbers<[1], [0], [0], [1], [0, 0, 1, 1], [], []>, precision = #tpu.contract_precision<fp32>, transpose_lhs_hint = false} : vector<1024x64xf32>, vector<64x512xf32>, vector<1024x512xf32> -> vector<1024x512xf32>
    %mul3A_121 = arith.constant 2.000000e+00 : f32
    %mul3A_122 = vector.broadcast %mul3A_121 : f32 to vector<1024x512xf32>
    %mul3A_123 = arith.mulf %mul3A_122, %dot_general3A_120 : vector<1024x512xf32>
    %sub3A_124 = vector.broadcast %broadcast_in_dim3A : vector<1x512xf32> to vector<1024x512xf32>
    %sub3A_125 = arith.subf %sub3A_124, %mul3A_123 : vector<1024x512xf32>
    %reduce_min3A_126 = arith.constant dense<0x7F800000> : vector<1024xf32>
    %reduce_min3A_127 = vector.multi_reduction <minimumf>, %sub3A_125, %reduce_min3A_126 [1] : vector<1024x512xf32> to vector<1024xf32>
    %broadcast_in_dim3A_128 = vector.shape_cast %reduce_min3A_127 : vector<1024xf32> to vector<1024x1xf32>
    %eq3A_129 = vector.broadcast %broadcast_in_dim3A_128 : vector<1024x1xf32> to vector<1024x512xf32>
    %eq3A_130 = arith.cmpf oeq, %sub3A_125, %eq3A_129 : vector<1024x512xf32>
    %jit3A_131 = arith.constant 512 : i32
    %broadcast_in_dim3A_132 = vector.broadcast %jit3A_131 : i32 to vector<1024x512xi32>
    %select_n3A_133 = arith.select %eq3A_130, %iota3A, %broadcast_in_dim3A_132 : vector<1024x512xi1>, vector<1024x512xi32>
    %reduce_min3A_134 = arith.constant dense<2147483647> : vector<1024xi32>
    %reduce_min3A_135 = vector.multi_reduction <minsi>, %select_n3A_133, %reduce_min3A_134 [1] : vector<1024x512xi32> to vector<1024xi32>
    %broadcast_in_dim3A_136 = vector.shape_cast %reduce_min3A_135 : vector<1024xi32> to vector<1024x1xi32>
    %eq3A_137 = vector.broadcast %broadcast_in_dim3A_136 : vector<1024x1xi32> to vector<1024x512xi32>
    %eq3A_138 = arith.cmpi eq, %iota3A, %eq3A_137 : vector<1024x512xi32>
    %jit3A_139 = arith.constant 3.400000e+38 : f32
    %broadcast_in_dim3A_140 = vector.broadcast %jit3A_139 : f32 to vector<1024x512xf32>
    %select_n3A_141 = arith.select %eq3A_138, %broadcast_in_dim3A_140, %sub3A_125 : vector<1024x512xi1>, vector<1024x512xf32>
    %reduce_min3A_142 = arith.constant dense<0x7F800000> : vector<1024xf32>
    %reduce_min3A_143 = vector.multi_reduction <minimumf>, %select_n3A_141, %reduce_min3A_142 [1] : vector<1024x512xf32> to vector<1024xf32>
    %broadcast_in_dim3A_144 = vector.shape_cast %reduce_min3A_143 : vector<1024xf32> to vector<1024x1xf32>
    %eq3A_145 = vector.broadcast %broadcast_in_dim3A_144 : vector<1024x1xf32> to vector<1024x512xf32>
    %eq3A_146 = arith.cmpf oeq, %select_n3A_141, %eq3A_145 : vector<1024x512xf32>
    %jit3A_147 = arith.constant 512 : i32
    %broadcast_in_dim3A_148 = vector.broadcast %jit3A_147 : i32 to vector<1024x512xi32>
    %select_n3A_149 = arith.select %eq3A_146, %iota3A, %broadcast_in_dim3A_148 : vector<1024x512xi1>, vector<1024x512xi32>
    %reduce_min3A_150 = arith.constant dense<2147483647> : vector<1024xi32>
    %reduce_min3A_151 = vector.multi_reduction <minsi>, %select_n3A_149, %reduce_min3A_150 [1] : vector<1024x512xi32> to vector<1024xi32>
    %broadcast_in_dim3A_152 = vector.shape_cast %reduce_min3A_151 : vector<1024xi32> to vector<1024x1xi32>
    %lt3A_153 = arith.cmpi slt, %broadcast_in_dim3A_152, %broadcast_in_dim3A_136 : vector<1024x1xi32>
    %select_n3A_154 = arith.select %lt3A_153, %broadcast_in_dim3A_152, %broadcast_in_dim3A_136 : vector<1024x1xi1>, vector<1024x1xi32>
    %select_n3A_155 = arith.select %lt3A_153, %broadcast_in_dim3A_136, %broadcast_in_dim3A_152 : vector<1024x1xi1>, vector<1024x1xi32>
    %swap3A_156 = arith.constant 0 : index
    %swap3A_157 = arith.constant 64 : index
    %swap3A_158 = vector.load %arg6[%swap3A_156, %swap3A_157] : memref<1024x128xf32, #tpu.memory_space<vmem>>, vector<1024x64xf32>
    tpu.vector_store %arg6[%swap3A_156, %swap3A_157], %add3A_118 {strides = array<i32>} : memref<1024x128xf32, #tpu.memory_space<vmem>>, vector<1024x64xf32>,
    %swap3A_159 = arith.constant 0 : index
    %swap3A_160 = arith.constant 2 : index
    %swap3A_161 = vector.load %arg7[%swap3A_159, %swap3A_160] : memref<1024x4xi32, #tpu.memory_space<vmem>>, vector<1024x1xi32>
    tpu.vector_store %arg7[%swap3A_159, %swap3A_160], %select_n3A_154 {strides = array<i32>} : memref<1024x4xi32, #tpu.memory_space<vmem>>, vector<1024x1xi32>,
    %swap3A_162 = arith.constant 0 : index
    %swap3A_163 = arith.constant 3 : index
    %swap3A_164 = vector.load %arg7[%swap3A_162, %swap3A_163] : memref<1024x4xi32, #tpu.memory_space<vmem>>, vector<1024x1xi32>
    tpu.vector_store %arg7[%swap3A_162, %swap3A_163], %select_n3A_155 {strides = array<i32>} : memref<1024x4xi32, #tpu.memory_space<vmem>>, vector<1024x1xi32>,
    %sub3A_165 = arith.subf %broadcast_in_dim3A_144, %broadcast_in_dim3A_128 : vector<1024x1xf32>
    %swap3A_166 = arith.constant 0 : index
    %swap3A_167 = arith.constant 1 : index
    %swap3A_168 = vector.load %arg8[%swap3A_166, %swap3A_167] : memref<1024x2xf32, #tpu.memory_space<vmem>>, vector<1024x1xf32>
    tpu.vector_store %arg8[%swap3A_166, %swap3A_167], %sub3A_165 {strides = array<i32>} : memref<1024x2xf32, #tpu.memory_space<vmem>>, vector<1024x1xf32>,
    return
  }
}

</mosaic_0001>

<sc_bundles>
// kernel: kernel.4.cloned.1.call-start
scs
__scs_entry_jumppad:
0x0: {  	(pc) =	sbr.rel $0x88, $3  }
0x1: {  	(tag) =	ssettag $0x0;
	lr =	simm.s32 $0x1  }
0x2: {  	[smem:$0x3F9C] =	sst lr;
	_ =	strace $0xD0000000  }
0x3: {  	_ = 	snop  }
0x4: {  	_ = 	snop  }
0x5: {  	_ = 	snop  }
0x6: {  	_ = 	snop  }
0x7: {  	_ = 	snop  }
__scs_overlays_trampoline_lowered:
0x8: {  	[smem:$0x3FAB] =	sst s0  }
0x9: {  	[smem:$0x3FAC] =	sst s1  }
0xa: {  	[smem:$0x3FAD] =	sst s2  }
0xb: {  	[smem:$0x3FAE] =	sst s3  }
0xc: {  	[smem:$0x3FAF] =	sst s4  }
0xd: {  	[smem:$0x3FB0] =	sst s5  }
0xe: {  	[smem:$0x3FB1] =	sst s6  }
0xf: {  	[smem:$0x3FB2] =	sst s7  }
0x10: {  	[smem:$0x3FB3] =	sst s8  }
0x11: {  	[smem:$0x3FB4] =	sst s9;
	s0 =	simm.s32 @!p0 $0x0  }
0x12: {  	s1 =	sld [smem:$0x3F9A];
	s0 =	simm.s32 @p0 $0x1  }
0x13: {  	[smem:$0x3FB5] =	sst s0;
	s0 =	simm.s32 @!p1 $0x0  }
0x14: {  	s2 =	sld [smem:$0x3F99];
	s0 =	simm.s32 @p1 $0x1  }
0x15: {  	[smem:$0x3FB6] =	sst s0;
	s0 =	simm.s32 @!p2 $0x0  }
0x16: {  	s3 =	sld [smem:$0x3FDB];
	s0 =	simm.s32 @p2 $0x1  }
0x17: {  	s4 =	simm.s32 $0x1BF5;
	[smem:$0x3FB8] =	sst s0  }
0x18: {  	s0 =	sld [smem:$0x3F9B];
	_ =	swait.ge [sflag:s4], $0x0  }
0x19: {  	s7 =	sld [smem:$0x3F9C]  }
0x1a: {  	s8 =	sadd.s32 $0xFFFFE003, lr  }
0x1b: {  	s9 =	sadd.s32 $0xFFFFFEF7, lr;
	s5 =	simm.s32 $0xFFFFFFFF;
	p2 =	slt.u32 s8, $0xFFFFF086  }
0x1c: {  	p1 =	slt.u32 s9, $0xF7A;
	s5 =	simm.s32 @!p2 $0x0  }
0x1d: {  	s5 =	simm.s32 @p1 $0x1;
	p0 =	seq.s32 s7, s2  }
0x1e: {  	s7 =	smul.u32 @!p0 $0xF7A, s2;
	p2 =	seq.s32 @!p0 s5, $0x0  }
0x1f: {  	s9 =	smul.u32 $0xF7A, s1;
	s8 =	simm.s32 @!p0 $0x1BF5;
	p2 =	por !p2, p0  }
0x20: {  	[sflag:s8] =	ssyncset.s32 @!p0 $0xFFFFF086;
	s6 =	sadd.s32 @!p0 s3, s7;
	s7 =	simm.s32 @!p0 $0x108  }
0x21: {  	s3 =	sadd.s32 s3, s9;
	s6 =	sadd.s32 @!p0 $0x88, s6;
	s7 =	simm.s32 @p2 $0x1082  }
0x22: {  	[simem:s7], [sflag:s8] =	dma.local @!p0 [hbm:s6], $0xF7A  }
0x23: {  	s9 =	sor.u32 $0xD0000000, s2;
	s6 =	simm.s32 $0x108;
	_ =	swait.ge @!p0 [sflag:s8], $0x0  }
0x24: {  	s3 =	sadd.s32 $0x88, s3;
	s6 =	simm.s32 @!p1 $0x1082;
	[sflag:s4] =	ssyncset.s32 $0xFFFFF086  }
0x25: {  	[simem:s6], [sflag:s4] =	dma.local [hbm:s3], $0xF7A  }
0x26: {  	[smem:$0x3F9C] =	sst s1;
	(tag) =	ssettag s2;
	_ =	strace s9  }
0x27: {  	s1 =	sld [smem:$0x3FAC]  }
0x28: {  	s2 =	sld [smem:$0x3FAD]  }
0x29: {  	s4 =	sld [smem:$0x3FAF]  }
0x2a: {  	p0 =	seq.s32 s5, $0x0;
	s5 =	sld [smem:$0x3FB0]  }
0x2b: {  	s6 =	sld [smem:$0x3FB1]  }
0x2c: {  	s7 =	sld [smem:$0x3FB2]  }
0x2d: {  	s3 =	simm.s32 $0x108;
	s8 =	sld [smem:$0x3FB3]  }
0x2e: {  	s3 =	simm.s32 @!p0 $0x1082;
	s9 =	sld [smem:$0x3FB4]  }
0x2f: {  	lr =	sadd.s32 s0, s3;
	s0 =	sld [smem:$0x3FAB]  }
0x30: {  	s3 =	sld [smem:$0x3FAE]  }
0x31: {  	[smem:$0x3FB7] =	sst s10  }
0x32: {  	s10 =	sld [smem:$0x3FB5];
	_ =	sdelay $0x3  }
0x33: {  	p0 =	seq.s32 s10, $0x1;
	s10 =	sld [smem:$0x3FB7];
	_ =	sdelay $0x3  }
0x34: {  	[smem:$0x3FB7] =	sst s10  }
0x35: {  	s10 =	sld [smem:$0x3FB6];
	_ =	sdelay $0x3  }
0x36: {  	p1 =	seq.s32 s10, $0x1;
	s10 =	sld [smem:$0x3FB7];
	_ =	sdelay $0x3  }
0x37: {  	[smem:$0x3FB7] =	sst s10  }
0x38: {  	s10 =	sld [smem:$0x3FB8]  }
0x39: {  	_ = 	snop;
	(pc) =	sbr.ind lr, $3  }
0x3a: {  	_ = 	snop  }
0x3b: {  	_ = 	snop  }
0x3c: {  	p2 =	seq.s32 s10, $0x1;
	s10 =	sld [smem:$0x3FB7]  }
0x3d: {  	_ =	shalt  }
0x3e: {  	_ =	shalt  }
0x3f: {  	_ =	shalt  }
0x40: {  	_ =	shalt  }
0x41: {  	_ =	shalt  }
0x42: {  	_ =	shalt  }
0x43: {  	_ =	shalt  }
0x44: {  	_ =	shalt  }
0x45: {  	_ =	shalt  }
0x46: {  	_ =	shalt  }
0x47: {  	_ =	shalt  }
0x48: {  	_ =	shalt  }
0x49: {  	_ =	shalt  }
0x4a: {  	_ =	shalt  }
0x4b: {  	_ =	shalt  }
0x4c: {  	_ =	shalt  }
0x4d: {  	_ =	shalt  }
0x4e: {  	_ =	shalt  }
0x4f: {  	_ =	shalt  }
0x50: {  	_ =	shalt  }
0x51: {  	_ =	shalt  }
0x52: {  	_ =	shalt  }
0x53: {  	_ =	shalt  }
0x54: {  	_ =	shalt  }
0x55: {  	_ =	shalt  }
0x56: {  	_ =	shalt  }
0x57: {  	_ =	shalt  }
0x58: {  	_ =	shalt  }
0x59: {  	_ =	shalt  }
0x5a: {  	_ =	shalt  }
0x5b: {  	_ =	shalt  }
0x5c: {  	_ =	shalt  }
0x5d: {  	_ =	shalt  }
0x5e: {  	_ =	shalt  }
0x5f: {  	_ =	shalt  }
0x60: {  	_ =	shalt  }
0x61: {  	_ =	shalt  }
0x62: {  	_ =	shalt  }
0x63: {  	_ =	shalt  }
0x64: {  	_ =	shalt  }
0x65: {  	_ =	shalt  }
0x66: {  	_ =	shalt  }
0x67: {  	_ =	shalt  }
0x68: {  	_ =	shalt  }
0x69: {  	_ =	shalt  }
0x6a: {  	_ =	shalt  }
0x6b: {  	_ =	shalt  }
0x6c: {  	_ =	shalt  }
0x6d: {  	_ =	shalt  }
0x6e: {  	_ =	shalt  }
0x6f: {  	_ =	shalt  }
0x70: {  	_ =	shalt  }
0x71: {  	_ =	shalt  }
0x72: {  	_ =	shalt  }
0x73: {  	_ =	shalt  }
0x74: {  	_ =	shalt  }
0x75: {  	_ =	shalt  }
0x76: {  	_ =	shalt  }
0x77: {  	_ =	shalt  }
0x78: {  	_ =	shalt  }
0x79: {  	_ =	shalt  }
0x7a: {  	_ =	shalt  }
0x7b: {  	_ =	shalt  }
0x7c: {  	_ =	shalt  }
0x7d: {  	_ =	shalt  }
0x7e: {  	_ =	shalt  }
0x7f: {  	_ =	shalt  }
0x80: {  	_ =	shalt  }
0x81: {  	_ =	shalt  }
0x82: {  	_ =	shalt  }
0x83: {  	_ =	shalt  }
0x84: {  	_ =	shalt  }
0x85: {  	_ =	shalt  }
0x86: {  	_ =	shalt  }
0x87: {  	_ =	shalt  }
.Lfunc_end0:
.L_simem_size_0:
called_computation_lowered:
.L_overlay_start_0:
0x88: {  	s2 =	sld [smem:$0x3FD9]  }
0x89: {  	s3 =	sld [smem:$0x3FFE];
	_ =	sdelay $0x1  }
0x8a: {  	s1 =	srdreg.scid  }
0x8b: {  	s0 =	sand.u32 $0x1, s1  }
0x8c: {  	s17 =	sshll.u32 s0, $0xA;
	s2 =	sadd.s32 s3, s2  }
0x8d: {  	s2 =	sadd.s32 s2, s17  }
0x8e: {  	[smem:$0x3FC3] =	sst s2  }
0x8f: {  	_ = 	snop  }
0x90: {  	s2 =	sld [smem:$0x3FD0];
	(tm) =	ssettm $0x1  }
0x91: {  	s18 =	sld [smem:$0x3FFB];
	_ =	sdelay $0x3  }
0x92: {  	_ =	strace s18  }
0x93: {  	s3 =	sld [smem:$0x3FFC];
	_ =	sdelay $0x3  }
0x94: {  	_ =	strace s3  }
0x95: {  	s3 =	sld [smem:$0x3FFD];
	_ =	sdelay $0x3  }
0x96: {  	_ =	strace s3  }
0x97: {  	_ =	strace $0x8FFFFFFF  }
0x98: {  	s19 =	sld [smem:$0x3FDB];
	_ =	sdelay $0x1  }
0x99: {  	s4 =	simm.s32 $_scs_section_size  }
0x9a: {  	s5 =	simm.s32 $_size__tile_overlayer_lowered;
	s6 =	simm.s32 $_tile_overlayer_lowered  }
0x9b: {  	s22 =	simm.s32 $0x1BFF;
	s21 =	sshll.u32 s6, $0x1;
	s3 =	sadd.s32 s4, s19  }
0x9c: {  	s7 =	simm.s32 $0x0;
	s20 =	sshll.u32 s5, $0x1;
	s5 =	sadd.s32 s21, s3  }
0x9d: {  	[timem:s7], [sflag:s22] =	dma.local [hbm:s5], s20  }
0x9e: {  	_ =	swait.ge [sflag:s22], s20  }
0x9f: {  	s4 =	ssub.s32 $0x0, s20;
	[sflag:s22] =	ssyncset.done $0x0  }
0xa0: {  	[sflag:s22] =	ssyncadd.s32 s4;
	_ =	sdelay $0x1  }
0xa1: {  	s23 =	simm.s32 $0x1B8B  }
0xa2: {  	_ =	swait.ge [sflag:s23], $0x1  }
0xa3: {  	[sflag:s23] =	ssyncset.done $0x0  }
0xa4: {  	s25 =	simm.s32 $0x1B8E;
	s24 =	sld [smem:$0x3FFE];
	[sflag:s23] =	ssyncadd.s32 $0xFFFFFFFF  }
0xa5: {  	s26 =	simm.s32 $execute0_lowered;
	[smem:$0x3FD2] =	sst s25  }
0xa6: {  	s5 =	sshll.u32 s26, $0x1;
	_ =	strace $0x80000046;
	[dreg:$0x1] =	wrdreg $0xFFFFFFFF  }
0xa7: {  	s28 =	simm.s32 $_size_execute0_lowered;
	s3 =	sadd.s32 s3, s5;
	[dreg:$0x0] =	wrdreg $0x0  }
0xa8: {  	s5 =	sshll.u32 s28, $0x1;
	[dreg:$0x2] =	wrdreg s3  }
0xa9: {  	[dreg:$0x3] =	wrdreg s5  }
0xaa: {  	[dreg:$0x4] =	wrdreg $0xC0  }
0xab: {  	_ =	task [dreg:s7], $0x5FFFF  }
0xac: {  	[dreg:$0x1] =	wrdreg $0xFFFFFFFF  }
0xad: {  	[dreg:$0x0] =	wrdreg $0x60  }
0xae: {  	[dreg:$0x2] =	wrdreg s2  }
0xaf: {  	[dreg:$0x3] =	wrdreg s24  }
0xb0: {  	[dreg:$0x4] =	wrdreg $0x9  }
0xb1: {  	_ =	task.clear_ibuf [dreg:s7], $0x5FFFF;
	_ =	strace $0x90000046  }
0xb2: {  	s29 =	simm.s32 $0x9;
	_ =	strace $0x80000048  }
0xb3: {  	_ =	swait.ge [sflag:s29], $0x1  }
0xb4: {  	[sflag:s29] =	ssyncadd.s32 $0xFFFFFFFF  }
0xb5: {  	_ =	strace $0x90000048  }
0xb6: {  	_ =	sfence  }
0xb7: {  	s30 =	sld [smem:$0x0];
	_ =	sdelay $0x2  }
0xb8: {  	s31 =	sshll.u32 s1, $0xD;
	s1 =	sshrl.u32 s1, $0x2  }
0xb9: {  	s3 =	sand.u32 $0x4000, s31;
	s1 =	sadd.s32 s1, s30  }
0xba: {  	s0 =	sor.u32 s3, s0;
	s1 =	sshll.u32 s1, $0x11  }
0xbb: {  	s0 =	sor.u32 s1, s0  }
0xbc: {  	s0 =	sadd.s32 $0x8F2B, s0  }
0xbd: {  	[sflag:s0] =	ssyncadd.remote.s32 $0x1  }
0xbe: {  	_ =	sfence.sel $0xFFFF  }
0xbf: {  	[dreg:$0x0] =	wrdreg $0xFFFFFFFF;
	(pc) =	sbr.abs _section_cstart, $3  }
0xc0: {  	[dreg:$0x1] =	wrdreg $0xFFFFFFFF  }
0xc1: {  	_ =	task.clear_ibuf [dreg:s7], $0x2FFFF;
	_ =	strace $0x9FFFFFFF  }
0xc2: {  	(tm) =	ssettm $0x7FFFFFFF  }
0xc3: {  	_ =	shalt  }
tec
execute0_lowered:
.L_overlay_start_1:
0x0: {  	(tag) =	ssettag $0x1  }
0x1: {  	s1 =	srdreg.scid;
	s2 =	rddreg [dreg:$0x0]  }
0x2: {  	s0 =	stileid.u32;
	s8 =	rddreg [dreg:$0x1];
	s6 =	sand.u32 $0x1, s1  }
0x3: {  	s3 =	simm.s32 $0x0;
	s4 =	sshll.u32 s0, $0x8;
	s5 =	sshll.u32 s6, $0x7  }
0x4: {  	s7 =	simm.s32 $0x1;
	[smem:$0x7FF] =	sst s3;
	s9 =	sor.u32 s5, s4  }
0x5: {  	s1 =	rddreg [dreg:$0x2];
	_ =	strace $0x80000047;
	s4 =	sshrl.u32 s9, $0x3  }
0x6: {  	s10 =	ssub.s32 $0x2, s6;
	s5 =	sadd.s32 s8, s4;
	s4 =	simm.s32 $0x2  }
0x7: {  	[tilespmem:s3], [sflag:$0x2] =	stream.linear.gather [hbm4b:s5+s3], $0x80, $0x38;
	[tilespmem:$0x4080] =	vst v63  }
0x8: {  	s6 =	simm.s32 $0x80;
	s11 =	sshrl.u32 s10, $0x1;
	_ =	swait.ge [sflag:s4], $0x80  }
0x9: {  	s9 =	sshll.u32 s9, $0x4;
	s31 =	ssub.s32 s10, s11;
	[sflag:s4] =	ssyncset.done $0x0  }
0xa: {  	s8 =	sadd.s32 s9, s8;
	s9 =	smax.u32 s31, $0x1;
	[sflag:s4] =	ssyncadd.s32 $0xFFFFFF80  }
0xb: {  	[tilespmem:s6], [sflag:$0x1] =	stream.indirect.gather [hbm4b:s2+s6], $0x80, s3, s6, $0xb8;
	[tilespmem:$0x4080] =	vst v63  }
0xc: {  	p0 =	sne.s32 s9, $0x1;
	_ =	swait.ge [sflag:s7], $0x4000  }
.Ltmp0:
0xd: {  	[sflag:s7] =	ssyncset.done $0x0;
	(pc) =	sbr.rel @!p0 .LBB2_2-.Ltmp0, $4  }
0xe: {  	s8 =	sadd.s32 $0x200, s8;
	[sflag:s7] =	ssyncadd.s32 $0xFFFFC000  }
0xf: {  	[hbm4b:s8+s3] =	stream.linear.scatter [tilespmem:s6], [sflag:$0x2], $0x4000, $0x38;
	[tilespmem:$0x4080] =	vst v63  }
0x10: {  	_ =	swait.ge [sflag:s4], $0x4000  }
0x11: {  	s9 =	sadd.s32 $0xFFFFFFFF, s9;
	[sflag:s4] =	ssyncset.done $0x0  }
.LBB2_1:
0x12: {  	p0 =	sne.s32 s9, $0x1;
	s9 =	sadd.s32 $0xFFFFFFFF, s9;
	[sflag:s4] =	ssyncadd.s32 $0xFFFFC000  }
0x13: {  	[tilespmem:s3], [sflag:$0x2] =	stream.linear.gather [hbm4b:s5+s3], $0x80, $0x38;
	[tilespmem:$0x4080] =	vst v63  }
0x14: {  	_ =	swait.ge [sflag:s4], $0x80  }
0x15: {  	[sflag:s4] =	ssyncset.done $0x0  }
0x16: {  	[sflag:s4] =	ssyncadd.s32 $0xFFFFFF80  }
0x17: {  	[tilespmem:s6], [sflag:$0x1] =	stream.indirect.gather [hbm4b:s2+s6], $0x80, s3, s6, $0xb8;
	[tilespmem:$0x4080] =	vst v63  }
0x18: {  	_ =	swait.ge [sflag:s7], $0x4000  }
.Ltmp1:
0x19: {  	[sflag:s7] =	ssyncset.done $0x0;
	(pc) =	sbr.rel @p0 .LBB2_1-.Ltmp1, $4  }
0x1a: {  	[sflag:s7] =	ssyncadd.s32 $0xFFFFC000  }
0x1b: {  	[hbm4b:s8+s3] =	stream.linear.scatter [tilespmem:s6], [sflag:$0x2], $0x4000, $0x38;
	[tilespmem:$0x4080] =	vst v63  }
0x1c: {  	_ =	swait.ge [sflag:s4], $0x4000  }
0x1d: {  	[sflag:s4] =	ssyncset.done $0x0  }
.LBB2_2:
0x1e: {  	[sflag:s4] =	ssyncadd.s32 $0xFFFFC000  }
0x1f: {  	_ =	sfence.sel $0x180000  }
0x20: {  	[bflag:$0x0] =	sbarrier.arrive $0xFFFF  }
0x21: {  	p0 =	sne.s32 s0, $0x0;
	_ =	strace $0x90000047  }
0x22: {  	s0 =	sadd.s32 @!p0 $0x100000, s1;
	[bflag:$0x2] =	sbarrier.arrive $0xFFFF  }
0x23: {  	[sflag:s0] =	ssyncadd.tile.s32 @!p0 $0x1;
	_ =	shalt  }
.Lfunc_end2:
_tile_overlayer_lowered:
.L_overlay_start_2:
0x24: {  	(tag) =	ssettag $0x2  }
0x25: {  	s0 =	rddreg [dreg:$0x0];
	s2 =	stileid.u32  }
0x26: {  	s1 =	rddreg [dreg:$0x1];
	p0 =	sne.s32 s2, $0x0  }
0x27: {  	s3 =	rddreg [dreg:$0x2];
	[bflag:$0x3] =	sbarrier.arrive $0xFFFF;
	s2 =	simm.s32 @!p0 $0x1C02  }
0x28: {  	[timem:s3], [sflag:s2] =	dma.local @!p0 [hbm:s0], s1  }
0x29: {  	s0 =	simm.s32 @!p0 $0x2  }
0x2a: {  	_ =	swait.ge @!p0 [sflag:s0], s1  }
0x2b: {  	s1 =	ssub.s32 @!p0 $0x0, s1;
	[sflag:s0] =	ssyncset.done @!p0 $0x0  }
0x2c: {  	[sflag:s0] =	ssyncadd.s32 @!p0 s1  }
0x2d: {  	[bflag:$0x3] =	sbarrier.arrive $0xFFFF  }
0x2e: {  	_ =	shalt  }

</sc_bundles>
